<compile_context>
chip_gen: v7x
topology: tpu7x:2x2x1
jax: 0.10.2.dev20260603
libtpu: 0.0.44.dev20260713+nightly
codegen_flags: <defaults>
</compile_context>

<pallas_src>
import functools

import jax
import jax.numpy as jnp
from jax import lax
from jax.experimental import pallas as pl
from jax.experimental.pallas import tpu as pltpu
from jax.experimental.pallas import tpu_sc as plsc

MAXZ = 54
NODE = 128
NW = 32
CHUNK = 128
CHUNKS_PER_W = 25
PER_W = CHUNK * CHUNKS_PER_W
N_OUT = 100000

NSLOT = 4
GRP = CHUNK // 16
CN = CHUNK * NODE

_mesh = plsc.VectorSubcoreMesh(core_axis_name="c", subcore_axis_name="s")


@functools.partial(
    pl.kernel,
    mesh=_mesh,
    out_type=jax.ShapeDtypeStruct((N_OUT * NODE,), jnp.float32),
    scratch_types=[
        pltpu.VMEM((MAXZ * NODE,), jnp.float32),
        pltpu.VMEM((PER_W,), jnp.int32),
        pltpu.VMEM((NSLOT * CN,), jnp.float32),
        pltpu.SemaphoreType.DMA((NSLOT,)),
        pltpu.SemaphoreType.DMA((2,)),
    ],
    compiler_params=pltpu.CompilerParams(needs_layout_passes=False),
)
def _embed_lookup(table_hbm, z_hbm, out_hbm, table_v, idx_v, bufs, ssem, lsem):
    wid = lax.axis_index("s") * 2 + lax.axis_index("c")
    base = jnp.minimum(wid * PER_W, N_OUT - PER_W)
    tcp = pltpu.async_copy(table_hbm, table_v, lsem.at[0])
    icp = pltpu.async_copy(z_hbm.at[pl.ds(base, PER_W)], idx_v, lsem.at[1])
    tcp.wait()
    icp.wait()

    lanes = lax.iota(jnp.int32, 16)
    row_flat = [(lanes + 16 * g) * NODE for g in range(GRP)]

    def chunk_copy(i, b):
        off = (base + i * CHUNK) * NODE
        return pltpu.make_async_copy(
            bufs.at[pl.ds(b * CN, CN)], out_hbm.at[pl.ds(off, CN)], ssem.at[b]
        )

    def body(i, carry):
        b = lax.rem(i, NSLOT)

        @pl.when(i >= NSLOT)
        def _drain():
            chunk_copy(i - NSLOT, b).wait()

        buf = bufs.at[pl.ds(b * CN, CN)]
        zb = [idx_v[pl.ds(i * CHUNK + 16 * g, 16)] * NODE for g in range(GRP)]

        @plsc.parallel_loop(0, NODE, unroll=2, carry=lax.iota(jnp.int32, 16))
        def _cols(c, cvec):
            for g in range(GRP):
                vals = plsc.load_gather(table_v, [zb[g] + cvec])
                plsc.store_scatter(buf, [row_flat[g] + cvec], vals)
            return (cvec + 1) & (NODE - 1)

        chunk_copy(i, b).start()
        return carry

    lax.fori_loop(0, CHUNKS_PER_W, body, 0)

    def drain(i, carry):
        chunk_copy(i, lax.rem(i, NSLOT)).wait()
        return carry

    lax.fori_loop(CHUNKS_PER_W - NSLOT, CHUNKS_PER_W, drain, 0)


def kernel(Z, table):
    out = _embed_lookup(table.reshape(-1), Z.astype(jnp.int32))
    return out.reshape(N_OUT, NODE)

# --- scband reference (transcript-rebuilt; emitter-appended) ---
"""Pipeline reference for scband-atomic-embedding-10677288698557 (READ-ONLY COPY).

The authoritative reference and input builder live on the scoring server;
editing this copy changes nothing except your own understanding.
"""

import jax, jax.numpy as jnp
import numpy as np

MAX_Z = 54
NODE_SIZE = 128
N_ATOMS = 100000

def setup_inputs(seed: int = 0) -> dict:
    key = jax.random.key(seed)
    k1, k2 = jax.random.split(key)
    Z = jax.random.randint(k1, (N_ATOMS,), 0, MAX_Z, dtype=jnp.int64 if jax.config.jax_enable_x64 else jnp.int32)
    # Embedding table, initialized like torch.nn.Embedding (N(0,1))
    table = jax.random.normal(k2, (MAX_Z, NODE_SIZE), dtype=jnp.float32)
    return {"Z": Z, "table": table}

def reference(Z, table):
    # Faithful translation of torch.nn.Embedding forward: row gather
    return jnp.take(table, Z, axis=0)

if __name__ == "__main__":
    import jax
    _d = setup_inputs()
    print(jax.jit(kernel)(*tuple(_d.values())))

</pallas_src>

<mosaic_0001>
#map = affine_map<(d0, d1) -> (0)>
module attributes {stable_mosaic.version = 14 : i64} {
  func.func @_embed_lookup(%arg0: i32, %arg1: i32, %arg2: memref<6912xf32, #tpu.memory_space<hbm>>, %arg3: memref<100000xi32, #tpu.memory_space<hbm>>, %arg4: memref<12800000xf32, #tpu.memory_space<hbm>>, %arg5: memref<6912xf32, #tpu.memory_space<vmem>>, %arg6: memref<3200xi32, #tpu.memory_space<vmem>>, %arg7: memref<65536xf32, #tpu.memory_space<vmem>>, %arg8: memref<4x!tpu.dma_semaphore, #tpu.memory_space<semaphore_mem>>, %arg9: memref<2x!tpu.dma_semaphore, #tpu.memory_space<semaphore_mem>>) attributes {dimension_semantics = [#tpu.dimension_semantics<core_parallel>, #tpu.dimension_semantics<subcore_parallel>], iteration_bounds = array<i64: 2, 16>, scalar_prefetch = 0 : i64, scratch_operands = 5 : i64, tpu.core_type = #tpu.core_type<sc_vector_subcore>, window_params = [{transform_indices = #map}, {transform_indices = #map}, {transform_indices = #map}]} {
    %mul3A = arith.constant 2 : i32
    %mul3A_0 = arith.muli %arg1, %mul3A : i32
    %add3A = arith.addi %mul3A_0, %arg0 : i32
    %mul3A_1 = arith.constant 3200 : i32
    %mul3A_2 = arith.muli %add3A, %mul3A_1 : i32
    %min3A = arith.constant 96800 : i32
    %min3A_3 = arith.minsi %mul3A_2, %min3A : i32
    %dma_start3A = arith.constant 0 : i32
    %dma_start3A_4 = tpu.memref_slice %arg9[%dma_start3A] : memref<2x!tpu.dma_semaphore, #tpu.memory_space<semaphore_mem>> -> memref<1x!tpu.dma_semaphore, #tpu.memory_space<semaphore_mem>>
    %dma_start3A_5 = tpu.memref_squeeze %dma_start3A_4 : memref<1x!tpu.dma_semaphore, #tpu.memory_space<semaphore_mem>> -> memref<!tpu.dma_semaphore, #tpu.memory_space<semaphore_mem>>
    tpu.enqueue_dma source(%arg2 : memref<6912xf32, #tpu.memory_space<hbm>>) target(%arg5 : memref<6912xf32, #tpu.memory_space<vmem>>) target_semaphore(%dma_start3A_5 : memref<!tpu.dma_semaphore, #tpu.memory_space<semaphore_mem>>)
    %dma_start3A_6 = arith.constant 1 : i32
    %dma_start3A_7 = tpu.memref_slice %arg3[%min3A_3] : memref<100000xi32, #tpu.memory_space<hbm>> -> memref<3200xi32, #tpu.memory_space<hbm>>
    %dma_start3A_8 = tpu.memref_slice %arg9[%dma_start3A_6] : memref<2x!tpu.dma_semaphore, #tpu.memory_space<semaphore_mem>> -> memref<1x!tpu.dma_semaphore, #tpu.memory_space<semaphore_mem>>
    %dma_start3A_9 = tpu.memref_squeeze %dma_start3A_8 : memref<1x!tpu.dma_semaphore, #tpu.memory_space<semaphore_mem>> -> memref<!tpu.dma_semaphore, #tpu.memory_space<semaphore_mem>>
    %dma_start3A_10 = tpu.memref_slice %arg3[%min3A_3] : memref<100000xi32, #tpu.memory_space<hbm>> -> memref<3200xi32, #tpu.memory_space<hbm>>
    tpu.enqueue_dma source(%dma_start3A_10 : memref<3200xi32, #tpu.memory_space<hbm>>) target(%arg6 : memref<3200xi32, #tpu.memory_space<vmem>>) target_semaphore(%dma_start3A_9 : memref<!tpu.dma_semaphore, #tpu.memory_space<semaphore_mem>>)
    %dma_wait3A = arith.constant 0 : i32
    %dma_wait3A_11 = tpu.memref_slice %arg9[%dma_wait3A] : memref<2x!tpu.dma_semaphore, #tpu.memory_space<semaphore_mem>> -> memref<1x!tpu.dma_semaphore, #tpu.memory_space<semaphore_mem>>
    %dma_wait3A_12 = tpu.memref_squeeze %dma_wait3A_11 : memref<1x!tpu.dma_semaphore, #tpu.memory_space<semaphore_mem>> -> memref<!tpu.dma_semaphore, #tpu.memory_space<semaphore_mem>>
    tpu.wait_dma2 semaphore(%dma_wait3A_12 : memref<!tpu.dma_semaphore, #tpu.memory_space<semaphore_mem>>) src(%arg2 : memref<6912xf32, #tpu.memory_space<hbm>>) dst(%arg5 : memref<6912xf32, #tpu.memory_space<vmem>>)
    %dma_wait3A_13 = arith.constant 1 : i32
    %dma_wait3A_14 = tpu.memref_slice %arg3[%min3A_3] : memref<100000xi32, #tpu.memory_space<hbm>> -> memref<3200xi32, #tpu.memory_space<hbm>>
    %dma_wait3A_15 = tpu.memref_slice %arg9[%dma_wait3A_13] : memref<2x!tpu.dma_semaphore, #tpu.memory_space<semaphore_mem>> -> memref<1x!tpu.dma_semaphore, #tpu.memory_space<semaphore_mem>>
    %dma_wait3A_16 = tpu.memref_squeeze %dma_wait3A_15 : memref<1x!tpu.dma_semaphore, #tpu.memory_space<semaphore_mem>> -> memref<!tpu.dma_semaphore, #tpu.memory_space<semaphore_mem>>
    %dma_wait3A_17 = tpu.memref_slice %arg3[%min3A_3] : memref<100000xi32, #tpu.memory_space<hbm>> -> memref<3200xi32, #tpu.memory_space<hbm>>
    tpu.wait_dma2 semaphore(%dma_wait3A_16 : memref<!tpu.dma_semaphore, #tpu.memory_space<semaphore_mem>>) src(%dma_wait3A_17 : memref<3200xi32, #tpu.memory_space<hbm>>) dst(%arg6 : memref<3200xi32, #tpu.memory_space<vmem>>)
    %iota3A = tpu.iota {dimensions = array<i32: 0>} : vector<16xi32>
    %add3A_18 = arith.constant 0 : i32
    %add3A_19 = vector.broadcast %add3A_18 : i32 to vector<16xi32>
    %add3A_20 = arith.addi %iota3A, %add3A_19 : vector<16xi32>
    %mul3A_21 = arith.constant 128 : i32
    %mul3A_22 = vector.broadcast %mul3A_21 : i32 to vector<16xi32>
    %mul3A_23 = arith.muli %add3A_20, %mul3A_22 : vector<16xi32>
    %add3A_24 = arith.constant 16 : i32
    %add3A_25 = vector.broadcast %add3A_24 : i32 to vector<16xi32>
    %add3A_26 = arith.addi %iota3A, %add3A_25 : vector<16xi32>
    %mul3A_27 = arith.constant 128 : i32
    %mul3A_28 = vector.broadcast %mul3A_27 : i32 to vector<16xi32>
    %mul3A_29 = arith.muli %add3A_26, %mul3A_28 : vector<16xi32>
    %add3A_30 = arith.constant 32 : i32
    %add3A_31 = vector.broadcast %add3A_30 : i32 to vector<16xi32>
    %add3A_32 = arith.addi %iota3A, %add3A_31 : vector<16xi32>
    %mul3A_33 = arith.constant 128 : i32
    %mul3A_34 = vector.broadcast %mul3A_33 : i32 to vector<16xi32>
    %mul3A_35 = arith.muli %add3A_32, %mul3A_34 : vector<16xi32>
    %add3A_36 = arith.constant 48 : i32
    %add3A_37 = vector.broadcast %add3A_36 : i32 to vector<16xi32>
    %add3A_38 = arith.addi %iota3A, %add3A_37 : vector<16xi32>
    %mul3A_39 = arith.constant 128 : i32
    %mul3A_40 = vector.broadcast %mul3A_39 : i32 to vector<16xi32>
    %mul3A_41 = arith.muli %add3A_38, %mul3A_40 : vector<16xi32>
    %add3A_42 = arith.constant 64 : i32
    %add3A_43 = vector.broadcast %add3A_42 : i32 to vector<16xi32>
    %add3A_44 = arith.addi %iota3A, %add3A_43 : vector<16xi32>
    %mul3A_45 = arith.constant 128 : i32
    %mul3A_46 = vector.broadcast %mul3A_45 : i32 to vector<16xi32>
    %mul3A_47 = arith.muli %add3A_44, %mul3A_46 : vector<16xi32>
    %add3A_48 = arith.constant 80 : i32
    %add3A_49 = vector.broadcast %add3A_48 : i32 to vector<16xi32>
    %add3A_50 = arith.addi %iota3A, %add3A_49 : vector<16xi32>
    %mul3A_51 = arith.constant 128 : i32
    %mul3A_52 = vector.broadcast %mul3A_51 : i32 to vector<16xi32>
    %mul3A_53 = arith.muli %add3A_50, %mul3A_52 : vector<16xi32>
    %add3A_54 = arith.constant 96 : i32
    %add3A_55 = vector.broadcast %add3A_54 : i32 to vector<16xi32>
    %add3A_56 = arith.addi %iota3A, %add3A_55 : vector<16xi32>
    %mul3A_57 = arith.constant 128 : i32
    %mul3A_58 = vector.broadcast %mul3A_57 : i32 to vector<16xi32>
    %mul3A_59 = arith.muli %add3A_56, %mul3A_58 : vector<16xi32>
    %add3A_60 = arith.constant 112 : i32
    %add3A_61 = vector.broadcast %add3A_60 : i32 to vector<16xi32>
    %add3A_62 = arith.addi %iota3A, %add3A_61 : vector<16xi32>
    %mul3A_63 = arith.constant 128 : i32
    %mul3A_64 = vector.broadcast %mul3A_63 : i32 to vector<16xi32>
    %mul3A_65 = arith.muli %add3A_62, %mul3A_64 : vector<16xi32>
    %scan3A = arith.constant 0 : i32
    %scan3A_66 = arith.constant 0 : i32
    %scan3A_67 = arith.constant 25 : i32
    %scan3A_68 = arith.addi %scan3A_66, %scan3A_67 : i32
    %scan3A_69 = arith.constant 1 : i32
    scf.for %scan3A_77 = %scan3A_66 to %scan3A_68 step %scan3A_69  : i32 {
      %rem3A = arith.constant 4 : i32
      %rem3A_78 = arith.remsi %scan3A_77, %rem3A : i32
      %ge3A = arith.constant 4 : i32
      %ge3A_79 = arith.cmpi sge, %scan3A_77, %ge3A : i32
      %convert_element_type3A = arith.extui %ge3A_79 : i1 to i32
      %cond3A = arith.constant 0 : i32
      %cond3A_80 = arith.cmpi ne, %convert_element_type3A, %cond3A : i32
      scf.if %cond3A_80 {
        %sub3A = arith.constant 4 : i32
        %sub3A_171 = arith.subi %scan3A_77, %sub3A : i32
        %mul3A_172 = arith.constant 128 : i32
        %mul3A_173 = arith.muli %sub3A_171, %mul3A_172 : i32
        %add3A_174 = arith.addi %min3A_3, %mul3A_173 : i32
        %mul3A_175 = arith.constant 128 : i32
        %mul3A_176 = arith.muli %add3A_174, %mul3A_175 : i32
        %mul3A_177 = arith.constant 16384 : i32
        %mul3A_178 = arith.muli %rem3A_78, %mul3A_177 : i32
        %dma_wait3A_179 = tpu.memref_slice %arg7[%mul3A_178] : memref<65536xf32, #tpu.memory_space<vmem>> -> memref<16384xf32, #tpu.memory_space<vmem>>
        %dma_wait3A_180 = tpu.memref_slice %arg4[%mul3A_176] : memref<12800000xf32, #tpu.memory_space<hbm>> -> memref<16384xf32, #tpu.memory_space<hbm>>
        %dma_wait3A_181 = tpu.memref_slice %arg8[%rem3A_78] : memref<4x!tpu.dma_semaphore, #tpu.memory_space<semaphore_mem>> -> memref<1x!tpu.dma_semaphore, #tpu.memory_space<semaphore_mem>>
        %dma_wait3A_182 = tpu.memref_squeeze %dma_wait3A_181 : memref<1x!tpu.dma_semaphore, #tpu.memory_space<semaphore_mem>> -> memref<!tpu.dma_semaphore, #tpu.memory_space<semaphore_mem>>
        %dma_wait3A_183 = tpu.memref_slice %arg4[%mul3A_176] : memref<12800000xf32, #tpu.memory_space<hbm>> -> memref<16384xf32, #tpu.memory_space<hbm>>
        %dma_wait3A_184 = tpu.memref_slice %arg7[%mul3A_178] : memref<65536xf32, #tpu.memory_space<vmem>> -> memref<16384xf32, #tpu.memory_space<vmem>>
        tpu.wait_dma2 semaphore(%dma_wait3A_182 : memref<!tpu.dma_semaphore, #tpu.memory_space<semaphore_mem>>) src(%dma_wait3A_184 : memref<16384xf32, #tpu.memory_space<vmem>>) dst(%dma_wait3A_183 : memref<16384xf32, #tpu.memory_space<hbm>>)
      } else {
      }
      %mul3A_81 = arith.constant 16384 : i32
      %mul3A_82 = arith.muli %rem3A_78, %mul3A_81 : i32
      %mul3A_83 = arith.constant 128 : i32
      %mul3A_84 = arith.muli %scan3A_77, %mul3A_83 : i32
      %add3A_85 = arith.constant 0 : i32
      %add3A_86 = arith.addi %mul3A_84, %add3A_85 : i32
      %get3A = arith.index_cast %add3A_86 : i32 to index
      %get3A_87 = tpu.vector_load %arg6[%get3A] {strides = array<i32>} : memref<3200xi32, #tpu.memory_space<vmem>>, vector<16xi32>,
      %mul3A_88 = arith.constant 128 : i32
      %mul3A_89 = vector.broadcast %mul3A_88 : i32 to vector<16xi32>
      %mul3A_90 = arith.muli %get3A_87, %mul3A_89 : vector<16xi32>
      %mul3A_91 = arith.constant 128 : i32
      %mul3A_92 = arith.muli %scan3A_77, %mul3A_91 : i32
      %add3A_93 = arith.constant 16 : i32
      %add3A_94 = arith.addi %mul3A_92, %add3A_93 : i32
      %get3A_95 = arith.index_cast %add3A_94 : i32 to index
      %get3A_96 = tpu.vector_load %arg6[%get3A_95] {strides = array<i32>} : memref<3200xi32, #tpu.memory_space<vmem>>, vector<16xi32>,
      %mul3A_97 = arith.constant 128 : i32
      %mul3A_98 = vector.broadcast %mul3A_97 : i32 to vector<16xi32>
      %mul3A_99 = arith.muli %get3A_96, %mul3A_98 : vector<16xi32>
      %mul3A_100 = arith.constant 128 : i32
      %mul3A_101 = arith.muli %scan3A_77, %mul3A_100 : i32
      %add3A_102 = arith.constant 32 : i32
      %add3A_103 = arith.addi %mul3A_101, %add3A_102 : i32
      %get3A_104 = arith.index_cast %add3A_103 : i32 to index
      %get3A_105 = tpu.vector_load %arg6[%get3A_104] {strides = array<i32>} : memref<3200xi32, #tpu.memory_space<vmem>>, vector<16xi32>,
      %mul3A_106 = arith.constant 128 : i32
      %mul3A_107 = vector.broadcast %mul3A_106 : i32 to vector<16xi32>
      %mul3A_108 = arith.muli %get3A_105, %mul3A_107 : vector<16xi32>
      %mul3A_109 = arith.constant 128 : i32
      %mul3A_110 = arith.muli %scan3A_77, %mul3A_109 : i32
      %add3A_111 = arith.constant 48 : i32
      %add3A_112 = arith.addi %mul3A_110, %add3A_111 : i32
      %get3A_113 = arith.index_cast %add3A_112 : i32 to index
      %get3A_114 = tpu.vector_load %arg6[%get3A_113] {strides = array<i32>} : memref<3200xi32, #tpu.memory_space<vmem>>, vector<16xi32>,
      %mul3A_115 = arith.constant 128 : i32
      %mul3A_116 = vector.broadcast %mul3A_115 : i32 to vector<16xi32>
      %mul3A_117 = arith.muli %get3A_114, %mul3A_116 : vector<16xi32>
      %mul3A_118 = arith.constant 128 : i32
      %mul3A_119 = arith.muli %scan3A_77, %mul3A_118 : i32
      %add3A_120 = arith.constant 64 : i32
      %add3A_121 = arith.addi %mul3A_119, %add3A_120 : i32
      %get3A_122 = arith.index_cast %add3A_121 : i32 to index
      %get3A_123 = tpu.vector_load %arg6[%get3A_122] {strides = array<i32>} : memref<3200xi32, #tpu.memory_space<vmem>>, vector<16xi32>,
      %mul3A_124 = arith.constant 128 : i32
      %mul3A_125 = vector.broadcast %mul3A_124 : i32 to vector<16xi32>
      %mul3A_126 = arith.muli %get3A_123, %mul3A_125 : vector<16xi32>
      %mul3A_127 = arith.constant 128 : i32
      %mul3A_128 = arith.muli %scan3A_77, %mul3A_127 : i32
      %add3A_129 = arith.constant 80 : i32
      %add3A_130 = arith.addi %mul3A_128, %add3A_129 : i32
      %get3A_131 = arith.index_cast %add3A_130 : i32 to index
      %get3A_132 = tpu.vector_load %arg6[%get3A_131] {strides = array<i32>} : memref<3200xi32, #tpu.memory_space<vmem>>, vector<16xi32>,
      %mul3A_133 = arith.constant 128 : i32
      %mul3A_134 = vector.broadcast %mul3A_133 : i32 to vector<16xi32>
      %mul3A_135 = arith.muli %get3A_132, %mul3A_134 : vector<16xi32>
      %mul3A_136 = arith.constant 128 : i32
      %mul3A_137 = arith.muli %scan3A_77, %mul3A_136 : i32
      %add3A_138 = arith.constant 96 : i32
      %add3A_139 = arith.addi %mul3A_137, %add3A_138 : i32
      %get3A_140 = arith.index_cast %add3A_139 : i32 to index
      %get3A_141 = tpu.vector_load %arg6[%get3A_140] {strides = array<i32>} : memref<3200xi32, #tpu.memory_space<vmem>>, vector<16xi32>,
      %mul3A_142 = arith.constant 128 : i32
      %mul3A_143 = vector.broadcast %mul3A_142 : i32 to vector<16xi32>
      %mul3A_144 = arith.muli %get3A_141, %mul3A_143 : vector<16xi32>
      %mul3A_145 = arith.constant 128 : i32
      %mul3A_146 = arith.muli %scan3A_77, %mul3A_145 : i32
      %add3A_147 = arith.constant 112 : i32
      %add3A_148 = arith.addi %mul3A_146, %add3A_147 : i32
      %get3A_149 = arith.index_cast %add3A_148 : i32 to index
      %get3A_150 = tpu.vector_load %arg6[%get3A_149] {strides = array<i32>} : memref<3200xi32, #tpu.memory_space<vmem>>, vector<16xi32>,
      %mul3A_151 = arith.constant 128 : i32
      %mul3A_152 = vector.broadcast %mul3A_151 : i32 to vector<16xi32>
      %mul3A_153 = arith.muli %get3A_150, %mul3A_152 : vector<16xi32>
      %iota3A_154 = tpu.iota {dimensions = array<i32: 0>} : vector<16xi32>
      %parallel_loop3A = arith.constant 0 : i32
      %parallel_loop3A_155 = arith.constant 128 : i32
      %parallel_loop3A_156 = arith.constant 1 : i32
      %parallel_loop3A_157 = scf.for %parallel_loop3A_171 = %parallel_loop3A to %parallel_loop3A_155 step %parallel_loop3A_156 iter_args(%parallel_loop3A_172 = %iota3A_154) -> (vector<16xi32>)  : i32 {
        %parallel_loop3A_173 = arith.addi %mul3A_90, %parallel_loop3A_172 : vector<16xi32>
        %parallel_loop3A_174 = tpu.vector_load_idx %arg5[%parallel_loop3A_173] : memref<6912xf32, #tpu.memory_space<vmem>>[vector<16xi32>], vector<16xf32>,
        %parallel_loop3A_175 = arith.addi %mul3A_23, %parallel_loop3A_172 : vector<16xi32>
        %parallel_loop3A_176 = tpu.memref_slice %arg7[%mul3A_82] : memref<65536xf32, #tpu.memory_space<vmem>> -> memref<16384xf32, #tpu.memory_space<vmem>>
        tpu.vector_store_idx %parallel_loop3A_176[%parallel_loop3A_175], %parallel_loop3A_174 : memref<16384xf32, #tpu.memory_space<vmem>>[vector<16xi32>], vector<16xf32>,
        %parallel_loop3A_177 = arith.addi %mul3A_99, %parallel_loop3A_172 : vector<16xi32>
        %parallel_loop3A_178 = tpu.vector_load_idx %arg5[%parallel_loop3A_177] : memref<6912xf32, #tpu.memory_space<vmem>>[vector<16xi32>], vector<16xf32>,
        %parallel_loop3A_179 = arith.addi %mul3A_29, %parallel_loop3A_172 : vector<16xi32>
        %parallel_loop3A_180 = tpu.memref_slice %arg7[%mul3A_82] : memref<65536xf32, #tpu.memory_space<vmem>> -> memref<16384xf32, #tpu.memory_space<vmem>>
        tpu.vector_store_idx %parallel_loop3A_180[%parallel_loop3A_179], %parallel_loop3A_178 : memref<16384xf32, #tpu.memory_space<vmem>>[vector<16xi32>], vector<16xf32>,
        %parallel_loop3A_181 = arith.addi %mul3A_108, %parallel_loop3A_172 : vector<16xi32>
        %parallel_loop3A_182 = tpu.vector_load_idx %arg5[%parallel_loop3A_181] : memref<6912xf32, #tpu.memory_space<vmem>>[vector<16xi32>], vector<16xf32>,
        %parallel_loop3A_183 = arith.addi %mul3A_35, %parallel_loop3A_172 : vector<16xi32>
        %parallel_loop3A_184 = tpu.memref_slice %arg7[%mul3A_82] : memref<65536xf32, #tpu.memory_space<vmem>> -> memref<16384xf32, #tpu.memory_space<vmem>>
        tpu.vector_store_idx %parallel_loop3A_184[%parallel_loop3A_183], %parallel_loop3A_182 : memref<16384xf32, #tpu.memory_space<vmem>>[vector<16xi32>], vector<16xf32>,
        %parallel_loop3A_185 = arith.addi %mul3A_117, %parallel_loop3A_172 : vector<16xi32>
        %parallel_loop3A_186 = tpu.vector_load_idx %arg5[%parallel_loop3A_185] : memref<6912xf32, #tpu.memory_space<vmem>>[vector<16xi32>], vector<16xf32>,
        %parallel_loop3A_187 = arith.addi %mul3A_41, %parallel_loop3A_172 : vector<16xi32>
        %parallel_loop3A_188 = tpu.memref_slice %arg7[%mul3A_82] : memref<65536xf32, #tpu.memory_space<vmem>> -> memref<16384xf32, #tpu.memory_space<vmem>>
        tpu.vector_store_idx %parallel_loop3A_188[%parallel_loop3A_187], %parallel_loop3A_186 : memref<16384xf32, #tpu.memory_space<vmem>>[vector<16xi32>], vector<16xf32>,
        %parallel_loop3A_189 = arith.addi %mul3A_126, %parallel_loop3A_172 : vector<16xi32>
        %parallel_loop3A_190 = tpu.vector_load_idx %arg5[%parallel_loop3A_189] : memref<6912xf32, #tpu.memory_space<vmem>>[vector<16xi32>], vector<16xf32>,
        %parallel_loop3A_191 = arith.addi %mul3A_47, %parallel_loop3A_172 : vector<16xi32>
        %parallel_loop3A_192 = tpu.memref_slice %arg7[%mul3A_82] : memref<65536xf32, #tpu.memory_space<vmem>> -> memref<16384xf32, #tpu.memory_space<vmem>>
        tpu.vector_store_idx %parallel_loop3A_192[%parallel_loop3A_191], %parallel_loop3A_190 : memref<16384xf32, #tpu.memory_space<vmem>>[vector<16xi32>], vector<16xf32>,
        %parallel_loop3A_193 = arith.addi %mul3A_135, %parallel_loop3A_172 : vector<16xi32>
        %parallel_loop3A_194 = tpu.vector_load_idx %arg5[%parallel_loop3A_193] : memref<6912xf32, #tpu.memory_space<vmem>>[vector<16xi32>], vector<16xf32>,
        %parallel_loop3A_195 = arith.addi %mul3A_53, %parallel_loop3A_172 : vector<16xi32>
        %parallel_loop3A_196 = tpu.memref_slice %arg7[%mul3A_82] : memref<65536xf32, #tpu.memory_space<vmem>> -> memref<16384xf32, #tpu.memory_space<vmem>>
        tpu.vector_store_idx %parallel_loop3A_196[%parallel_loop3A_195], %parallel_loop3A_194 : memref<16384xf32, #tpu.memory_space<vmem>>[vector<16xi32>], vector<16xf32>,
        %parallel_loop3A_197 = arith.addi %mul3A_144, %parallel_loop3A_172 : vector<16xi32>
        %parallel_loop3A_198 = tpu.vector_load_idx %arg5[%parallel_loop3A_197] : memref<6912xf32, #tpu.memory_space<vmem>>[vector<16xi32>], vector<16xf32>,
        %parallel_loop3A_199 = arith.addi %mul3A_59, %parallel_loop3A_172 : vector<16xi32>
        %parallel_loop3A_200 = tpu.memref_slice %arg7[%mul3A_82] : memref<65536xf32, #tpu.memory_space<vmem>> -> memref<16384xf32, #tpu.memory_space<vmem>>
        tpu.vector_store_idx %parallel_loop3A_200[%parallel_loop3A_199], %parallel_loop3A_198 : memref<16384xf32, #tpu.memory_space<vmem>>[vector<16xi32>], vector<16xf32>,
        %parallel_loop3A_201 = arith.addi %mul3A_153, %parallel_loop3A_172 : vector<16xi32>
        %parallel_loop3A_202 = tpu.vector_load_idx %arg5[%parallel_loop3A_201] : memref<6912xf32, #tpu.memory_space<vmem>>[vector<16xi32>], vector<16xf32>,
        %parallel_loop3A_203 = arith.addi %mul3A_65, %parallel_loop3A_172 : vector<16xi32>
        %parallel_loop3A_204 = tpu.memref_slice %arg7[%mul3A_82] : memref<65536xf32, #tpu.memory_space<vmem>> -> memref<16384xf32, #tpu.memory_space<vmem>>
        tpu.vector_store_idx %parallel_loop3A_204[%parallel_loop3A_203], %parallel_loop3A_202 : memref<16384xf32, #tpu.memory_space<vmem>>[vector<16xi32>], vector<16xf32>,
        %parallel_loop3A_205 = arith.constant 1 : i32
        %parallel_loop3A_206 = vector.broadcast %parallel_loop3A_205 : i32 to vector<16xi32>
        %parallel_loop3A_207 = arith.addi %parallel_loop3A_172, %parallel_loop3A_206 : vector<16xi32>
        %parallel_loop3A_208 = arith.constant 127 : i32
        %parallel_loop3A_209 = vector.broadcast %parallel_loop3A_208 : i32 to vector<16xi32>
        %parallel_loop3A_210 = arith.andi %parallel_loop3A_207, %parallel_loop3A_209 : vector<16xi32>
        scf.yield %parallel_loop3A_210 : vector<16xi32>
      } {sc.loop_unroll_factor = 2 : i64, sc.parallel_access}
      %mul3A_158 = arith.constant 128 : i32
      %mul3A_159 = arith.muli %scan3A_77, %mul3A_158 : i32
      %add3A_160 = arith.addi %min3A_3, %mul3A_159 : i32
      %mul3A_161 = arith.constant 128 : i32
      %mul3A_162 = arith.muli %add3A_160, %mul3A_161 : i32
      %mul3A_163 = arith.constant 16384 : i32
      %mul3A_164 = arith.muli %rem3A_78, %mul3A_163 : i32
      %dma_start3A_165 = tpu.memref_slice %arg7[%mul3A_164] : memref<65536xf32, #tpu.memory_space<vmem>> -> memref<16384xf32, #tpu.memory_space<vmem>>
      %dma_start3A_166 = tpu.memref_slice %arg4[%mul3A_162] : memref<12800000xf32, #tpu.memory_space<hbm>> -> memref<16384xf32, #tpu.memory_space<hbm>>
      %dma_start3A_167 = tpu.memref_slice %arg8[%rem3A_78] : memref<4x!tpu.dma_semaphore, #tpu.memory_space<semaphore_mem>> -> memref<1x!tpu.dma_semaphore, #tpu.memory_space<semaphore_mem>>
      %dma_start3A_168 = tpu.memref_squeeze %dma_start3A_167 : memref<1x!tpu.dma_semaphore, #tpu.memory_space<semaphore_mem>> -> memref<!tpu.dma_semaphore, #tpu.memory_space<semaphore_mem>>
      %dma_start3A_169 = tpu.memref_slice %arg4[%mul3A_162] : memref<12800000xf32, #tpu.memory_space<hbm>> -> memref<16384xf32, #tpu.memory_space<hbm>>
      %dma_start3A_170 = tpu.memref_slice %arg7[%mul3A_164] : memref<65536xf32, #tpu.memory_space<vmem>> -> memref<16384xf32, #tpu.memory_space<vmem>>
      tpu.enqueue_dma source(%dma_start3A_170 : memref<16384xf32, #tpu.memory_space<vmem>>) target(%dma_start3A_169 : memref<16384xf32, #tpu.memory_space<hbm>>) target_semaphore(%dma_start3A_168 : memref<!tpu.dma_semaphore, #tpu.memory_space<semaphore_mem>>)
    }
    %scan3A_70 = arith.constant 25 : i32
    %scan3A_71 = arith.constant 0 : i32
    %scan3A_72 = arith.constant 21 : i32
    %scan3A_73 = arith.constant 4 : i32
    %scan3A_74 = arith.addi %scan3A_72, %scan3A_73 : i32
    %scan3A_75 = arith.constant 1 : i32
    scf.for %scan3A_77 = %scan3A_72 to %scan3A_74 step %scan3A_75  : i32 {
      %rem3A = arith.constant 4 : i32
      %rem3A_78 = arith.remsi %scan3A_77, %rem3A : i32
      %mul3A_79 = arith.constant 128 : i32
      %mul3A_80 = arith.muli %scan3A_77, %mul3A_79 : i32
      %add3A_81 = arith.addi %min3A_3, %mul3A_80 : i32
      %mul3A_82 = arith.constant 128 : i32
      %mul3A_83 = arith.muli %add3A_81, %mul3A_82 : i32
      %mul3A_84 = arith.constant 16384 : i32
      %mul3A_85 = arith.muli %rem3A_78, %mul3A_84 : i32
      %dma_wait3A_86 = tpu.memref_slice %arg7[%mul3A_85] : memref<65536xf32, #tpu.memory_space<vmem>> -> memref<16384xf32, #tpu.memory_space<vmem>>
      %dma_wait3A_87 = tpu.memref_slice %arg4[%mul3A_83] : memref<12800000xf32, #tpu.memory_space<hbm>> -> memref<16384xf32, #tpu.memory_space<hbm>>
      %dma_wait3A_88 = tpu.memref_slice %arg8[%rem3A_78] : memref<4x!tpu.dma_semaphore, #tpu.memory_space<semaphore_mem>> -> memref<1x!tpu.dma_semaphore, #tpu.memory_space<semaphore_mem>>
      %dma_wait3A_89 = tpu.memref_squeeze %dma_wait3A_88 : memref<1x!tpu.dma_semaphore, #tpu.memory_space<semaphore_mem>> -> memref<!tpu.dma_semaphore, #tpu.memory_space<semaphore_mem>>
      %dma_wait3A_90 = tpu.memref_slice %arg4[%mul3A_83] : memref<12800000xf32, #tpu.memory_space<hbm>> -> memref<16384xf32, #tpu.memory_space<hbm>>
      %dma_wait3A_91 = tpu.memref_slice %arg7[%mul3A_85] : memref<65536xf32, #tpu.memory_space<vmem>> -> memref<16384xf32, #tpu.memory_space<vmem>>
      tpu.wait_dma2 semaphore(%dma_wait3A_89 : memref<!tpu.dma_semaphore, #tpu.memory_space<semaphore_mem>>) src(%dma_wait3A_91 : memref<16384xf32, #tpu.memory_space<vmem>>) dst(%dma_wait3A_90 : memref<16384xf32, #tpu.memory_space<hbm>>)
    }
    %scan3A_76 = arith.constant 4 : i32
    return
  }
}

</mosaic_0001>

<sc_bundles>
// kernel: kernel.3.cloned.1.call-start
scs
__scs_entry_jumppad:
0x0: {  	(pc) =	sbr.rel $0x88, $3  }
0x1: {  	(tag) =	ssettag $0x0;
	lr =	simm.s32 $0x1  }
0x2: {  	[smem:$0x3F9F] =	sst lr;
	_ =	strace $0xD0000000  }
0x3: {  	_ = 	snop  }
0x4: {  	_ = 	snop  }
0x5: {  	_ = 	snop  }
0x6: {  	_ = 	snop  }
0x7: {  	_ = 	snop  }
__scs_overlays_trampoline_lowered:
0x8: {  	[smem:$0x3FAE] =	sst s0  }
0x9: {  	[smem:$0x3FAF] =	sst s1  }
0xa: {  	[smem:$0x3FB0] =	sst s2  }
0xb: {  	[smem:$0x3FB1] =	sst s3  }
0xc: {  	[smem:$0x3FB2] =	sst s4  }
0xd: {  	[smem:$0x3FB3] =	sst s5  }
0xe: {  	[smem:$0x3FB4] =	sst s6  }
0xf: {  	[smem:$0x3FB5] =	sst s7  }
0x10: {  	[smem:$0x3FB6] =	sst s8  }
0x11: {  	[smem:$0x3FB7] =	sst s9;
	s0 =	simm.s32 @!p0 $0x0  }
0x12: {  	s1 =	sld [smem:$0x3F9D];
	s0 =	simm.s32 @p0 $0x1  }
0x13: {  	[smem:$0x3FB8] =	sst s0;
	s0 =	simm.s32 @!p1 $0x0  }
0x14: {  	s2 =	sld [smem:$0x3F9C];
	s0 =	simm.s32 @p1 $0x1  }
0x15: {  	[smem:$0x3FB9] =	sst s0;
	s0 =	simm.s32 @!p2 $0x0  }
0x16: {  	s3 =	sld [smem:$0x3FDB];
	s0 =	simm.s32 @p2 $0x1  }
0x17: {  	s4 =	simm.s32 $0x1BF5;
	[smem:$0x3FBB] =	sst s0  }
0x18: {  	s0 =	sld [smem:$0x3F9E];
	_ =	swait.ge [sflag:s4], $0x0  }
0x19: {  	s7 =	sld [smem:$0x3F9F]  }
0x1a: {  	s8 =	sadd.s32 $0xFFFFE003, lr  }
0x1b: {  	s9 =	sadd.s32 $0xFFFFFEF7, lr;
	s5 =	simm.s32 $0xFFFFFFFF;
	p2 =	slt.u32 s8, $0xFFFFF086  }
0x1c: {  	p1 =	slt.u32 s9, $0xF7A;
	s5 =	simm.s32 @!p2 $0x0  }
0x1d: {  	s5 =	simm.s32 @p1 $0x1;
	p0 =	seq.s32 s7, s2  }
0x1e: {  	s7 =	smul.u32 @!p0 $0xF7A, s2;
	p2 =	seq.s32 @!p0 s5, $0x0  }
0x1f: {  	s9 =	smul.u32 $0xF7A, s1;
	s8 =	simm.s32 @!p0 $0x1BF5;
	p2 =	por !p2, p0  }
0x20: {  	[sflag:s8] =	ssyncset.s32 @!p0 $0xFFFFF086;
	s6 =	sadd.s32 @!p0 s3, s7;
	s7 =	simm.s32 @!p0 $0x108  }
0x21: {  	s3 =	sadd.s32 s3, s9;
	s6 =	sadd.s32 @!p0 $0x88, s6;
	s7 =	simm.s32 @p2 $0x1082  }
0x22: {  	[simem:s7], [sflag:s8] =	dma.local @!p0 [hbm:s6], $0xF7A  }
0x23: {  	s9 =	sor.u32 $0xD0000000, s2;
	s6 =	simm.s32 $0x108;
	_ =	swait.ge @!p0 [sflag:s8], $0x0  }
0x24: {  	s3 =	sadd.s32 $0x88, s3;
	s6 =	simm.s32 @!p1 $0x1082;
	[sflag:s4] =	ssyncset.s32 $0xFFFFF086  }
0x25: {  	[simem:s6], [sflag:s4] =	dma.local [hbm:s3], $0xF7A  }
0x26: {  	[smem:$0x3F9F] =	sst s1;
	(tag) =	ssettag s2;
	_ =	strace s9  }
0x27: {  	s1 =	sld [smem:$0x3FAF]  }
0x28: {  	s2 =	sld [smem:$0x3FB0]  }
0x29: {  	s4 =	sld [smem:$0x3FB2]  }
0x2a: {  	p0 =	seq.s32 s5, $0x0;
	s5 =	sld [smem:$0x3FB3]  }
0x2b: {  	s6 =	sld [smem:$0x3FB4]  }
0x2c: {  	s7 =	sld [smem:$0x3FB5]  }
0x2d: {  	s3 =	simm.s32 $0x108;
	s8 =	sld [smem:$0x3FB6]  }
0x2e: {  	s3 =	simm.s32 @!p0 $0x1082;
	s9 =	sld [smem:$0x3FB7]  }
0x2f: {  	lr =	sadd.s32 s0, s3;
	s0 =	sld [smem:$0x3FAE]  }
0x30: {  	s3 =	sld [smem:$0x3FB1]  }
0x31: {  	[smem:$0x3FBA] =	sst s10  }
0x32: {  	s10 =	sld [smem:$0x3FB8];
	_ =	sdelay $0x3  }
0x33: {  	p0 =	seq.s32 s10, $0x1;
	s10 =	sld [smem:$0x3FBA];
	_ =	sdelay $0x3  }
0x34: {  	[smem:$0x3FBA] =	sst s10  }
0x35: {  	s10 =	sld [smem:$0x3FB9];
	_ =	sdelay $0x3  }
0x36: {  	p1 =	seq.s32 s10, $0x1;
	s10 =	sld [smem:$0x3FBA];
	_ =	sdelay $0x3  }
0x37: {  	[smem:$0x3FBA] =	sst s10  }
0x38: {  	s10 =	sld [smem:$0x3FBB]  }
0x39: {  	_ = 	snop;
	(pc) =	sbr.ind lr, $3  }
0x3a: {  	_ = 	snop  }
0x3b: {  	_ = 	snop  }
0x3c: {  	p2 =	seq.s32 s10, $0x1;
	s10 =	sld [smem:$0x3FBA]  }
0x3d: {  	_ =	shalt  }
0x3e: {  	_ =	shalt  }
0x3f: {  	_ =	shalt  }
0x40: {  	_ =	shalt  }
0x41: {  	_ =	shalt  }
0x42: {  	_ =	shalt  }
0x43: {  	_ =	shalt  }
0x44: {  	_ =	shalt  }
0x45: {  	_ =	shalt  }
0x46: {  	_ =	shalt  }
0x47: {  	_ =	shalt  }
0x48: {  	_ =	shalt  }
0x49: {  	_ =	shalt  }
0x4a: {  	_ =	shalt  }
0x4b: {  	_ =	shalt  }
0x4c: {  	_ =	shalt  }
0x4d: {  	_ =	shalt  }
0x4e: {  	_ =	shalt  }
0x4f: {  	_ =	shalt  }
0x50: {  	_ =	shalt  }
0x51: {  	_ =	shalt  }
0x52: {  	_ =	shalt  }
0x53: {  	_ =	shalt  }
0x54: {  	_ =	shalt  }
0x55: {  	_ =	shalt  }
0x56: {  	_ =	shalt  }
0x57: {  	_ =	shalt  }
0x58: {  	_ =	shalt  }
0x59: {  	_ =	shalt  }
0x5a: {  	_ =	shalt  }
0x5b: {  	_ =	shalt  }
0x5c: {  	_ =	shalt  }
0x5d: {  	_ =	shalt  }
0x5e: {  	_ =	shalt  }
0x5f: {  	_ =	shalt  }
0x60: {  	_ =	shalt  }
0x61: {  	_ =	shalt  }
0x62: {  	_ =	shalt  }
0x63: {  	_ =	shalt  }
0x64: {  	_ =	shalt  }
0x65: {  	_ =	shalt  }
0x66: {  	_ =	shalt  }
0x67: {  	_ =	shalt  }
0x68: {  	_ =	shalt  }
0x69: {  	_ =	shalt  }
0x6a: {  	_ =	shalt  }
0x6b: {  	_ =	shalt  }
0x6c: {  	_ =	shalt  }
0x6d: {  	_ =	shalt  }
0x6e: {  	_ =	shalt  }
0x6f: {  	_ =	shalt  }
0x70: {  	_ =	shalt  }
0x71: {  	_ =	shalt  }
0x72: {  	_ =	shalt  }
0x73: {  	_ =	shalt  }
0x74: {  	_ =	shalt  }
0x75: {  	_ =	shalt  }
0x76: {  	_ =	shalt  }
0x77: {  	_ =	shalt  }
0x78: {  	_ =	shalt  }
0x79: {  	_ =	shalt  }
0x7a: {  	_ =	shalt  }
0x7b: {  	_ =	shalt  }
0x7c: {  	_ =	shalt  }
0x7d: {  	_ =	shalt  }
0x7e: {  	_ =	shalt  }
0x7f: {  	_ =	shalt  }
0x80: {  	_ =	shalt  }
0x81: {  	_ =	shalt  }
0x82: {  	_ =	shalt  }
0x83: {  	_ =	shalt  }
0x84: {  	_ =	shalt  }
0x85: {  	_ =	shalt  }
0x86: {  	_ =	shalt  }
0x87: {  	_ =	shalt  }
.Lfunc_end0:
.L_simem_size_0:
called_computation_lowered:
.L_overlay_start_0:
0x88: {  	s2 =	sld [smem:$0x3FD9]  }
0x89: {  	s3 =	sld [smem:$0x3FFE];
	_ =	sdelay $0x1  }
0x8a: {  	s1 =	srdreg.scid  }
0x8b: {  	s0 =	sand.u32 $0x1, s1  }
0x8c: {  	s18 =	sshll.u32 s0, $0xA;
	s2 =	sadd.s32 s3, s2  }
0x8d: {  	s2 =	sadd.s32 s2, s18  }
0x8e: {  	[smem:$0x3FC6] =	sst s2  }
0x8f: {  	_ = 	snop  }
0x90: {  	s2 =	sld [smem:$0x3FC9]  }
0x91: {  	s19 =	sld [smem:$0x3FC8]  }
0x92: {  	s4 =	sld [smem:$0x3FD0];
	(tm) =	ssettm $0x1  }
0x93: {  	s5 =	sld [smem:$0x3FFB];
	_ =	sdelay $0x3  }
0x94: {  	_ =	strace s5  }
0x95: {  	s5 =	sld [smem:$0x3FFC];
	_ =	sdelay $0x3  }
0x96: {  	_ =	strace s5  }
0x97: {  	s5 =	sld [smem:$0x3FFD];
	_ =	sdelay $0x3  }
0x98: {  	_ =	strace s5  }
0x99: {  	_ =	strace $0x8FFFFFFF  }
0x9a: {  	s20 =	sld [smem:$0x3FDB];
	_ =	sdelay $0x1  }
0x9b: {  	s6 =	simm.s32 $_scs_section_size  }
0x9c: {  	s7 =	simm.s32 $_size__tile_overlayer_lowered;
	s8 =	simm.s32 $_tile_overlayer_lowered  }
0x9d: {  	s23 =	simm.s32 $0x1BFF;
	s22 =	sshll.u32 s8, $0x1;
	s5 =	sadd.s32 s6, s20  }
0x9e: {  	s9 =	simm.s32 $0x0;
	s21 =	sshll.u32 s7, $0x1;
	s7 =	sadd.s32 s22, s5  }
0x9f: {  	[timem:s9], [sflag:s23] =	dma.local [hbm:s7], s21  }
0xa0: {  	_ =	swait.ge [sflag:s23], s21  }
0xa1: {  	s6 =	ssub.s32 $0x0, s21;
	[sflag:s23] =	ssyncset.done $0x0  }
0xa2: {  	[sflag:s23] =	ssyncadd.s32 s6;
	_ =	sdelay $0x1  }
0xa3: {  	s24 =	simm.s32 $0x1B8B  }
0xa4: {  	_ =	swait.ge [sflag:s24], $0x1  }
0xa5: {  	[sflag:s24] =	ssyncset.done $0x0  }
0xa6: {  	s25 =	simm.s32 $0x1B8E;
	[sflag:s24] =	ssyncadd.s32 $0xFFFFFFFF  }
0xa7: {  	s26 =	simm.s32 $execute0_lowered;
	[smem:$0x3FD2] =	sst s25  }
0xa8: {  	s6 =	sshll.u32 s26, $0x1;
	_ =	strace $0x80000046;
	[dreg:$0x1] =	wrdreg $0xFFFFFFFF  }
0xa9: {  	s28 =	simm.s32 $_size_execute0_lowered;
	s5 =	sadd.s32 s5, s6;
	[dreg:$0x0] =	wrdreg $0x0  }
0xaa: {  	s6 =	sshll.u32 s28, $0x1;
	[dreg:$0x2] =	wrdreg s5  }
0xab: {  	[dreg:$0x3] =	wrdreg s6  }
0xac: {  	[dreg:$0x4] =	wrdreg $0xC0  }
0xad: {  	_ =	task [dreg:s9], $0x5FFFF  }
0xae: {  	[dreg:$0x1] =	wrdreg $0xFFFFFFFF  }
0xaf: {  	[dreg:$0x0] =	wrdreg $0x60  }
0xb0: {  	[dreg:$0x2] =	wrdreg s19  }
0xb1: {  	[dreg:$0x3] =	wrdreg s2  }
0xb2: {  	[dreg:$0x4] =	wrdreg s4  }
0xb3: {  	[dreg:$0x5] =	wrdreg $0x9  }
0xb4: {  	_ =	task.clear_ibuf [dreg:s9], $0x6FFFF;
	_ =	strace $0x90000046  }
0xb5: {  	s29 =	simm.s32 $0x9;
	_ =	strace $0x80000048  }
0xb6: {  	_ =	swait.ge [sflag:s29], $0x1  }
0xb7: {  	[sflag:s29] =	ssyncadd.s32 $0xFFFFFFFF  }
0xb8: {  	_ =	strace $0x90000048  }
0xb9: {  	_ =	sfence  }
0xba: {  	s30 =	sld [smem:$0x0];
	_ =	sdelay $0x2  }
0xbb: {  	s31 =	sshll.u32 s1, $0xD;
	s1 =	sshrl.u32 s1, $0x2  }
0xbc: {  	s3 =	sand.u32 $0x4000, s31;
	s1 =	sadd.s32 s1, s30  }
0xbd: {  	s0 =	sor.u32 s3, s0;
	s1 =	sshll.u32 s1, $0x11  }
0xbe: {  	s0 =	sor.u32 s1, s0  }
0xbf: {  	s0 =	sadd.s32 $0x8F2B, s0  }
0xc0: {  	[sflag:s0] =	ssyncadd.remote.s32 $0x1  }
0xc1: {  	_ =	sfence.sel $0xFFFF  }
0xc2: {  	[dreg:$0x0] =	wrdreg $0xFFFFFFFF;
	(pc) =	sbr.abs _section_cstart, $3  }
0xc3: {  	[dreg:$0x1] =	wrdreg $0xFFFFFFFF  }
0xc4: {  	_ =	task.clear_ibuf [dreg:s9], $0x2FFFF;
	_ =	strace $0x9FFFFFFF  }
0xc5: {  	(tm) =	ssettm $0x7FFFFFFF  }
tec
execute0_lowered:
.L_overlay_start_1:
0x0: {  	(tag) =	ssettag $0x1  }
0x1: {  	s1 =	rddreg [dreg:$0x0]  }
0x2: {  	s2 =	srdreg.scid;
	s4 =	rddreg [dreg:$0x1]  }
0x3: {  	s0 =	stileid.u32;
	s6 =	rddreg [dreg:$0x2];
	s3 =	simm.s32 $0x0  }
0x4: {  	s10 =	simm.s32 $0x2;
	s5 =	sand.u32 $0x1, s2;
	s31 =	sshll.u32 s0, $0x1  }
0x5: {  	s11 =	simm.s32 $0x3;
	s12 =	simm.s32 $0x4;
	s7 =	sor.u32 s5, s31  }
0x6: {  	v0 =	vlaneseq.u32;
	s13 =	simm.s32 $0x1;
	s2 =	rddreg [dreg:$0x3];
	s7 =	smul.u32 $0xC80, s7  }
0x7: {  	s14 =	simm.s32 $0x0;
	[smem:$0x7FF] =	sst s3;
	v0 =	vmul.u32 $0x80, v0;
	s5 =	ssub.s32 $0x2, s5  }
0x8: {  	_ =	strace $0x80000047;
	s8 =	sshrl.u32 s5, $0x1;
	s7 =	smin.u32 s7, $0x17A20  }
0x9: {  	v1 =	vor.u32 $0x800, v0;
	s8 =	ssub.s32 s5, s8;
	s9 =	sshrl.u32 s7, $0x3;
	s7 =	sshll.u32 s7, $0x4  }
0xa: {  	v2 =	vor.u32 $0x1000, v0;
	v3 =	vor.u32 $0x1800, v0;
	v4 =	vor.u32 $0x2000, v0;
	s4 =	sadd.s32 s4, s9;
	s5 =	sadd.s32 s6, s7;
	s6 =	smax.u32 s8, $0x1  }
0xb: {  	v5 =	vor.u32 $0x2800, v0;
	v6 =	vor.u32 $0x3000, v0;
	v7 =	vor.u32 $0x3800, v0;
	s7 =	simm.s32 $0x1B00;
	s8 =	simm.s32 $0x5;
	s9 =	simm.s32 $0x6  }
.LBB2_1:
0xc: {  	[tilespmem:s3], [sflag:$0x5] =	stream.linear.gather [hbm4b:s1+s3], $0x1B00, $0x38;
	[tilespmem:$0x12780] =	vst v63  }
0xd: {  	_ = 	snop  }
0xe: {  	[tilespmem:s7], [sflag:$0x6] =	stream.linear.gather [hbm4b:s4+s3], $0xC80, $0x38;
	[tilespmem:$0x12780] =	vst v63  }
0xf: {  	_ =	swait.ge [sflag:s8], $0x1B00  }
0x10: {  	[sflag:s8] =	ssyncset.done $0x0  }
0x11: {  	[sflag:s8] =	ssyncadd.s32 $0xFFFFE500  }
0x12: {  	_ =	swait.ge [sflag:s9], $0xC80  }
0x13: {  	[sflag:s9] =	ssyncset.done $0x0  }
0x14: {  	s15 =	simm.s32 $0x0;
	[sflag:s9] =	ssyncadd.s32 $0xFFFFF380  }
.LBB2_2:
0x15: {  	s16 =	sand.u32 $0x3, s15;
	p0 =	slt.u32 s15, $0x4  }
0x16: {  	s17 =	sadd.s32 @!p0 $0x1, s16  }
0x17: {  	_ =	swait.ge @!p0 [sflag:s17], $0x4000  }
0x18: {  	s18 =	sshll.u32 s15, $0x7;
	[sflag:s17] =	ssyncset.done @!p0 $0x0  }
0x19: {  	s30 =	sand.u32 $0x3FFFFF80, s18;
	[sflag:s17] =	ssyncadd.s32 @!p0 $0xFFFFC000  }
0x1a: {  	v8 =	vld [tilespmem:s30+$0x1B00];
	_ =	sdelay $0x4  }
0x1b: {  	v27 =	vlaneseq.u32;
	v13 =	vshll.u32 v8, $0x7  }
0x1c: {  	v9 =	vadd.s32 $0x1, v27;
	v8 =	vld [tilespmem:s30+$0x1B10];
	v10 =	vor.u32 v13, v27  }
0x1d: {  	v26 =	vand.u32 $0x7F, v9  }
0x1e: {  	v11 =	vor.u32 v13, v26  }
0x1f: {  	v9 =	vld [tilespmem:s30+$0x1B20]  }
0x20: {  	v12 =	vld [tilespmem:s30+$0x1B30]  }
0x21: {  	v15 =	vshll.u32 v8, $0x7;
	v8 =	vor.u32 v0, v27;
	v10 =	vld.idx.msk [tilespmem:v10+s3+$0x0], $0xffff  }
0x22: {  	v14 =	vld [tilespmem:s30+$0x1B40];
	v18 =	vor.u32 v15, v27  }
0x23: {  	v19 =	vor.u32 v0, v26;
	v11 =	vld.idx.msk [tilespmem:v11+s3+$0x0], $0xffff  }
0x24: {  	s31 =	sshll.u32 s16, $0xE;
	v16 =	vld [tilespmem:s30+$0x1B50];
	v20 =	vor.u32 v15, v26  }
0x25: {  	s17 =	sor.u32 $0x2780, s31;
	v21 =	vld [tilespmem:s30+$0x1B60]  }
0x26: {  	v23 =	vld [tilespmem:s30+$0x1B70];
	[tilespmem:v8+s17+$0x0] =	vst.idx.msk $0xffff, v10  }
0x27: {  	v17 =	vshll.u32 v9, $0x7;
	v10 =	vld.idx.msk [tilespmem:v18+s3+$0x0], $0xffff;
	v18 =	vor.u32 v1, v27  }
0x28: {  	[tilespmem:v19+s17+$0x0] =	vst.idx.msk $0xffff, v11;
	v11 =	vor.u32 v17, v27  }
0x29: {  	v22 =	vor.u32 v1, v26;
	v8 =	vadd.s32 $0x2, v27;
	v19 =	vld.idx.msk [tilespmem:v20+s3+$0x0], $0xffff  }
0x2a: {  	v24 =	vor.u32 v17, v26;
	v9 =	vand.u32 $0x7F, v8  }
0x2b: {  	v8 =	vadd.s32 $0x1, v9  }
0x2c: {  	v25 =	vor.u32 v13, v9;
	v8 =	vand.u32 $0x7F, v8;
	[tilespmem:v18+s17+$0x0] =	vst.idx.msk $0xffff, v10  }
0x2d: {  	v20 =	vshll.u32 v12, $0x7;
	v12 =	vor.u32 v2, v27;
	v10 =	vor.u32 v13, v8;
	v11 =	vld.idx.msk [tilespmem:v11+s3+$0x0], $0xffff  }
0x2e: {  	[tilespmem:v22+s17+$0x0] =	vst.idx.msk $0xffff, v19;
	v18 =	vor.u32 v20, v27  }
0x2f: {  	v22 =	vld.idx.msk [tilespmem:v24+s3+$0x0], $0xffff;
	v24 =	vor.u32 v2, v26  }
0x30: {  	v28 =	vor.u32 v20, v26  }
0x31: {  	v33 =	vor.u32 v4, v27;
	v29 =	vor.u32 v0, v9;
	v25 =	vld.idx.msk [tilespmem:v25+s3+$0x0], $0xffff  }
0x32: {  	v30 =	vor.u32 v15, v9;
	v10 =	vld.idx.msk [tilespmem:v10+s3+$0x0], $0xffff;
	[tilespmem:v12+s17+$0x0] =	vst.idx.msk $0xffff, v11;
	v11 =	vor.u32 v0, v8  }
0x33: {  	v19 =	vshll.u32 v14, $0x7;
	v12 =	vor.u32 v15, v8;
	v14 =	vld.idx.msk [tilespmem:v18+s3+$0x0], $0xffff;
	v18 =	vor.u32 v3, v27  }
0x34: {  	v52 =	vor.u32 v5, v27;
	[tilespmem:v24+s17+$0x0] =	vst.idx.msk $0xffff, v22;
	v22 =	vor.u32 v19, v27  }
0x35: {  	v56 =	vor.u32 v6, v27;
	v39 =	vor.u32 v5, v26;
	v24 =	vld.idx.msk [tilespmem:v28+s3+$0x0], $0xffff;
	v28 =	vor.u32 v3, v26  }
0x36: {  	v59 =	vor.u32 v6, v26;
	[tilespmem:v29+s17+$0x0] =	vst.idx.msk $0xffff, v25;
	v25 =	vor.u32 v19, v26  }
0x37: {  	v31 =	vor.u32 v17, v9;
	v29 =	vld.idx.msk [tilespmem:v30+s3+$0x0], $0xffff;
	v30 =	vor.u32 v1, v9;
	[tilespmem:v11+s17+$0x0] =	vst.idx.msk $0xffff, v10  }
0x38: {  	v10 =	vadd.s32 $0x2, v9;
	v32 =	vld.idx.msk [tilespmem:v12+s3+$0x0], $0xffff;
	[tilespmem:v18+s17+$0x0] =	vst.idx.msk $0xffff, v14;
	v14 =	vor.u32 v1, v8  }
0x39: {  	v16 =	vshll.u32 v16, $0x7;
	v10 =	vand.u32 $0x7F, v10;
	v18 =	vld.idx.msk [tilespmem:v22+s3+$0x0], $0xffff;
	v22 =	vor.u32 v17, v8  }
0x3a: {  	v34 =	vor.u32 v16, v27;
	[tilespmem:v28+s17+$0x0] =	vst.idx.msk $0xffff, v24;
	v28 =	vor.u32 v13, v10  }
0x3b: {  	v36 =	vor.u32 v2, v9;
	v11 =	vadd.s32 $0x1, v10;
	v24 =	vld.idx.msk [tilespmem:v25+s3+$0x0], $0xffff;
	v25 =	vor.u32 v4, v26  }
0x3c: {  	v43 =	vor.u32 v3, v9;
	[tilespmem:v30+s17+$0x0] =	vst.idx.msk $0xffff, v29;
	v29 =	vor.u32 v16, v26;
	v11 =	vand.u32 $0x7F, v11  }
0x3d: {  	v45 =	vor.u32 v4, v9;
	v31 =	vld.idx.msk [tilespmem:v31+s3+$0x0], $0xffff;
	v30 =	vor.u32 v13, v11;
	[tilespmem:v14+s17+$0x0] =	vst.idx.msk $0xffff, v32  }
0x3e: {  	v14 =	vor.u32 v20, v9;
	v32 =	vld.idx.msk [tilespmem:v22+s3+$0x0], $0xffff;
	[tilespmem:v33+s17+$0x0] =	vst.idx.msk $0xffff, v18;
	v18 =	vor.u32 v2, v8  }
0x3f: {  	v46 =	vor.u32 v16, v9;
	v37 =	vor.u32 v20, v8;
	v38 =	vor.u32 v0, v10;
	v28 =	vld.idx.msk [tilespmem:v28+s3+$0x0], $0xffff  }
0x40: {  	v12 =	vshll.u32 v21, $0x7;
	v40 =	vor.u32 v15, v10;
	[tilespmem:v25+s17+$0x0] =	vst.idx.msk $0xffff, v24;
	v33 =	vld.idx.msk [tilespmem:v34+s3+$0x0], $0xffff  }
0x41: {  	v48 =	vor.u32 v4, v8;
	v55 =	vor.u32 v19, v8;
	v35 =	vor.u32 v12, v27;
	v29 =	vld.idx.msk [tilespmem:v29+s3+$0x0], $0xffff  }
0x42: {  	v53 =	vor.u32 v12, v26;
	[tilespmem:v36+s17+$0x0] =	vst.idx.msk $0xffff, v31;
	v31 =	vor.u32 v0, v11;
	v30 =	vld.idx.msk [tilespmem:v30+s3+$0x0], $0xffff  }
0x43: {  	v41 =	vor.u32 v15, v11;
	v24 =	vadd.s32 $0x2, v10;
	v42 =	vld.idx.msk [tilespmem:v14+s3+$0x0], $0xffff;
	[tilespmem:v18+s17+$0x0] =	vst.idx.msk $0xffff, v32  }
0x44: {  	v14 =	vand.u32 $0x7F, v24;
	v24 =	vor.u32 v19, v9;
	[tilespmem:v38+s17+$0x0] =	vst.idx.msk $0xffff, v28;
	v32 =	vld.idx.msk [tilespmem:v37+s3+$0x0], $0xffff  }
0x45: {  	v28 =	vor.u32 v3, v8;
	v62 =	vor.u32 v13, v14;
	[tilespmem:v52+s17+$0x0] =	vst.idx.msk $0xffff, v33;
	v54 =	vld.idx.msk [tilespmem:v40+s3+$0x0], $0xffff  }
0x46: {  	v21 =	vor.u32 v12, v9;
	[tilespmem:v39+s17+$0x0] =	vst.idx.msk $0xffff, v29;
	v29 =	vor.u32 v1, v10;
	v33 =	vld.idx.msk [tilespmem:v35+s3+$0x0], $0xffff  }
0x47: {  	v57 =	vor.u32 v17, v10;
	v18 =	vshll.u32 v23, $0x7;
	[tilespmem:v31+s17+$0x0] =	vst.idx.msk $0xffff, v30;
	v31 =	vld.idx.msk [tilespmem:v53+s3+$0x0], $0xffff  }
0x48: {  	v60 =	vor.u32 v1, v11;
	v30 =	vor.u32 v18, v27;
	v58 =	vld.idx.msk [tilespmem:v41+s3+$0x0], $0xffff;
	[tilespmem:v43+s17+$0x0] =	vst.idx.msk $0xffff, v42  }
0x49: {  	v44 =	vor.u32 v17, v11;
	v22 =	vor.u32 v12, v10;
	v61 =	vor.u32 v18, v26;
	v42 =	vld.idx.msk [tilespmem:v24+s3+$0x0], $0xffff  }
0x4a: {  	v36 =	vor.u32 v2, v10;
	v25 =	vor.u32 v0, v14;
	v41 =	vld.idx.msk [tilespmem:v62+s3+$0x0], $0xffff;
	[tilespmem:v28+s17+$0x0] =	vst.idx.msk $0xffff, v32  }
0x4b: {  	v23 =	vor.u32 v12, v14;
	v24 =	vadd.s32 $0x1, v14;
	[tilespmem:v29+s17+$0x0] =	vst.idx.msk $0xffff, v54;
	v47 =	vld.idx.msk [tilespmem:v55+s3+$0x0], $0xffff  }
0x4c: {  	v63 =	vadd.s32 $0x2, v14;
	v37 =	vor.u32 v20, v10;
	v24 =	vand.u32 $0x7F, v24;
	[tilespmem:v56+s17+$0x0] =	vst.idx.msk $0xffff, v33;
	v34 =	vld.idx.msk [tilespmem:v57+s3+$0x0], $0xffff  }
0x4d: {  	[tilespmem:v59+s17+$0x0] =	vst.idx.msk $0xffff, v31;
	v31 =	vor.u32 v7, v27;
	v29 =	vld.idx.msk [tilespmem:v30+s3+$0x0], $0xffff;
	v30 =	vor.u32 v16, v8  }
0x4e: {  	v39 =	vor.u32 v2, v11;
	v38 =	vor.u32 v13, v24;
	[tilespmem:v60+s17+$0x0] =	vst.idx.msk $0xffff, v58;
	v28 =	vld.idx.msk [tilespmem:v61+s3+$0x0], $0xffff  }
0x4f: {  	v40 =	vor.u32 v20, v11;
	v32 =	vor.u32 v7, v26;
	v35 =	vld.idx.msk [tilespmem:v44+s3+$0x0], $0xffff;
	[tilespmem:v45+s17+$0x0] =	vst.idx.msk $0xffff, v42  }
0x50: {  	s18 =	simm.s32 $0x6;
	v27 =	vor.u32 v5, v9;
	v33 =	vand.u32 $0x7F, v63;
	v26 =	vld.idx.msk [tilespmem:v46+s3+$0x0], $0xffff;
	[tilespmem:v48+s17+$0x0] =	vst.idx.msk $0xffff, v47  }
.LBB2_3:
0x51: {  	v42 =	vor.u32 v0, v33;
	v43 =	vor.u32 v5, v8  }
0x52: {  	s18 =	sadd.s32 $0x2, s18;
	v30 =	vld.idx.msk [tilespmem:v30+s3+$0x0], $0xffff;
	[tilespmem:v31+s17+$0x0] =	vst.idx.msk $0xffff, v29;
	v44 =	vmovc v24;
	v45 =	vmov v10;
	v10 =	vmov v14;
	v14 =	vmov v33  }
0x53: {  	p0 =	slt.u32 s18, $0x7E;
	v24 =	vor.u32 v15, v10;
	v29 =	vld.idx.msk [tilespmem:v38+s3+$0x0], $0xffff;
	v31 =	vor.u32 v15, v44;
	[tilespmem:v36+s17+$0x0] =	vst.idx.msk $0xffff, v34  }
0x54: {  	v34 =	vor.u32 v0, v44;
	v36 =	vld.idx.msk [tilespmem:v37+s3+$0x0], $0xffff;
	v37 =	vor.u32 v12, v8;
	[tilespmem:v32+s17+$0x0] =	vst.idx.msk $0xffff, v28  }
0x55: {  	v32 =	vor.u32 v12, v33;
	v28 =	vor.u32 v3, v45;
	[tilespmem:v39+s17+$0x0] =	vst.idx.msk $0xffff, v35  }
0x56: {  	v35 =	vor.u32 v19, v45;
	v38 =	vld.idx.msk [tilespmem:v40+s3+$0x0], $0xffff;
	[tilespmem:v27+s17+$0x0] =	vst.idx.msk $0xffff, v26  }
0x57: {  	v26 =	vor.u32 v3, v11;
	[tilespmem:v25+s17+$0x0] =	vst.idx.msk $0xffff, v41;
	v27 =	vld.idx.msk [tilespmem:v21+s3+$0x0], $0xffff;
	v25 =	vmov v42;
	v21 =	vmov v22  }
0x58: {  	v40 =	vor.u32 v6, v9;
	v22 =	vor.u32 v19, v11;
	v39 =	vld.idx.msk [tilespmem:v24+s3+$0x0], $0xffff;
	[tilespmem:v43+s17+$0x0] =	vst.idx.msk $0xffff, v30  }
0x59: {  	v30 =	vor.u32 v1, v10;
	[tilespmem:v34+s17+$0x0] =	vst.idx.msk $0xffff, v29;
	v29 =	vor.u32 v18, v9;
	v37 =	vld.idx.msk [tilespmem:v37+s3+$0x0], $0xffff  }
0x5a: {  	v34 =	vor.u32 v17, v10;
	v41 =	vld.idx.msk [tilespmem:v31+s3+$0x0], $0xffff;
	[tilespmem:v28+s17+$0x0] =	vst.idx.msk $0xffff, v36;
	v28 =	vor.u32 v6, v8  }
0x5b: {  	v46 =	vor.u32 v16, v45;
	v42 =	vor.u32 v1, v44;
	v43 =	vld.idx.msk [tilespmem:v35+s3+$0x0], $0xffff;
	v35 =	vor.u32 v18, v8  }
0x5c: {  	v47 =	vor.u32 v17, v44;
	v48 =	vor.u32 v4, v45;
	v24 =	vadd.s32 $0x1, v33;
	[tilespmem:v26+s17+$0x0] =	vst.idx.msk $0xffff, v38  }
0x5d: {  	v50 =	vor.u32 v4, v11;
	v24 =	vand.u32 $0x7F, v24;
	v49 =	vld.idx.msk [tilespmem:v22+s3+$0x0], $0xffff;
	[tilespmem:v40+s17+$0x0] =	vst.idx.msk $0xffff, v27;
	v22 =	vmov v23  }
0x5e: {  	v38 =	vor.u32 v13, v24;
	v40 =	vor.u32 v13, v33;
	[tilespmem:v30+s17+$0x0] =	vst.idx.msk $0xffff, v39;
	v29 =	vld.idx.msk [tilespmem:v29+s3+$0x0], $0xffff  }
.Ltmp0:
0x5f: {  	v31 =	vor.u32 v7, v9;
	v30 =	vor.u32 v16, v11;
	v34 =	vld.idx.msk [tilespmem:v34+s3+$0x0], $0xffff;
	[tilespmem:v28+s17+$0x0] =	vst.idx.msk $0xffff, v37;
	(pc) =	sbr.rel @p0 .LBB2_3-.Ltmp0, $4  }
0x60: {  	v36 =	vor.u32 v2, v10;
	v9 =	vmov v45;
	v23 =	vmov v32;
	[tilespmem:v42+s17+$0x0] =	vst.idx.msk $0xffff, v41;
	v28 =	vld.idx.msk [tilespmem:v35+s3+$0x0], $0xffff  }
0x61: {  	v32 =	vor.u32 v7, v8;
	v37 =	vor.u32 v20, v10;
	v35 =	vld.idx.msk [tilespmem:v47+s3+$0x0], $0xffff;
	[tilespmem:v48+s17+$0x0] =	vst.idx.msk $0xffff, v43  }
0x62: {  	v33 =	vadd.s32 $0x2, v33;
	v27 =	vor.u32 v5, v9;
	v8 =	vmovc v11;
	v39 =	vor.u32 v2, v44;
	v26 =	vld.idx.msk [tilespmem:v46+s3+$0x0], $0xffff  }
0x63: {  	v33 =	vand.u32 $0x7F, v33;
	v11 =	vmov v44;
	v41 =	vld.idx.msk [tilespmem:v40+s3+$0x0], $0xffff;
	v40 =	vor.u32 v20, v44;
	[tilespmem:v50+s17+$0x0] =	vst.idx.msk $0xffff, v49  }
0x64: {  	_ =	sdelay $0x3  }
0x65: {  	v13 =	vor.u32 v15, v14;
	v33 =	vld.idx.msk [tilespmem:v38+s3+$0x0], $0xffff;
	v57 =	vor.u32 v0, v24  }
0x66: {  	v58 =	vor.u32 v15, v24;
	_ =	sdelay $0x2  }
0x67: {  	[tilespmem:v25+s17+$0x0] =	vst.idx.msk $0xffff, v41  }
0x68: {  	v59 =	vor.u32 v1, v14;
	v13 =	vld.idx.msk [tilespmem:v13+s3+$0x0], $0xffff;
	[tilespmem:v57+s17+$0x0] =	vst.idx.msk $0xffff, v33  }
0x69: {  	v60 =	vor.u32 v17, v14;
	v61 =	vor.u32 v1, v24;
	v15 =	vld.idx.msk [tilespmem:v58+s3+$0x0], $0xffff  }
0x6a: {  	v62 =	vor.u32 v17, v24;
	_ =	sdelay $0x2  }
0x6b: {  	[tilespmem:v59+s17+$0x0] =	vst.idx.msk $0xffff, v13  }
0x6c: {  	v63 =	vor.u32 v2, v14;
	v13 =	vld.idx.msk [tilespmem:v60+s3+$0x0], $0xffff;
	[tilespmem:v61+s17+$0x0] =	vst.idx.msk $0xffff, v15  }
0x6d: {  	v42 =	vor.u32 v2, v24;
	v41 =	vor.u32 v20, v14;
	v17 =	vld.idx.msk [tilespmem:v62+s3+$0x0], $0xffff  }
0x6e: {  	v43 =	vor.u32 v20, v24  }
0x6f: {  	[tilespmem:v36+s17+$0x0] =	vst.idx.msk $0xffff, v34  }
0x70: {  	v44 =	vor.u32 v3, v10;
	v34 =	vld.idx.msk [tilespmem:v37+s3+$0x0], $0xffff;
	[tilespmem:v39+s17+$0x0] =	vst.idx.msk $0xffff, v35  }
0x71: {  	v45 =	vor.u32 v19, v10;
	v47 =	vor.u32 v3, v11;
	v46 =	vld.idx.msk [tilespmem:v40+s3+$0x0], $0xffff;
	[tilespmem:v63+s17+$0x0] =	vst.idx.msk $0xffff, v13  }
0x72: {  	v48 =	vor.u32 v19, v11;
	v49 =	vor.u32 v3, v14;
	v15 =	vld.idx.msk [tilespmem:v41+s3+$0x0], $0xffff;
	[tilespmem:v42+s17+$0x0] =	vst.idx.msk $0xffff, v17  }
0x73: {  	v50 =	vor.u32 v19, v14;
	v51 =	vor.u32 v3, v24;
	v20 =	vld.idx.msk [tilespmem:v43+s3+$0x0], $0xffff  }
0x74: {  	v52 =	vor.u32 v19, v24  }
0x75: {  	[tilespmem:v44+s17+$0x0] =	vst.idx.msk $0xffff, v34  }
0x76: {  	v53 =	vor.u32 v4, v10;
	v34 =	vld.idx.msk [tilespmem:v45+s3+$0x0], $0xffff;
	[tilespmem:v47+s17+$0x0] =	vst.idx.msk $0xffff, v46  }
0x77: {  	v54 =	vor.u32 v16, v10;
	v55 =	vor.u32 v4, v11;
	v13 =	vld.idx.msk [tilespmem:v48+s3+$0x0], $0xffff;
	[tilespmem:v49+s17+$0x0] =	vst.idx.msk $0xffff, v15  }
0x78: {  	v56 =	vor.u32 v16, v11;
	v57 =	vor.u32 v4, v14;
	v17 =	vld.idx.msk [tilespmem:v50+s3+$0x0], $0xffff;
	[tilespmem:v51+s17+$0x0] =	vst.idx.msk $0xffff, v20  }
0x79: {  	[tilespmem:v31+s17+$0x0] =	vst.idx.msk $0xffff, v29;
	v58 =	vor.u32 v16, v14;
	v59 =	vor.u32 v4, v24;
	v19 =	vld.idx.msk [tilespmem:v52+s3+$0x0], $0xffff  }
0x7a: {  	[tilespmem:v32+s17+$0x0] =	vst.idx.msk $0xffff, v28;
	v60 =	vor.u32 v16, v24  }
0x7b: {  	v61 =	vld.idx.msk [tilespmem:v30+s3+$0x0], $0xffff;
	v62 =	vor.u32 v5, v8;
	[tilespmem:v53+s17+$0x0] =	vst.idx.msk $0xffff, v34  }
0x7c: {  	v39 =	vor.u32 v5, v10;
	v38 =	vld.idx.msk [tilespmem:v54+s3+$0x0], $0xffff;
	v63 =	vor.u32 v12, v8;
	[tilespmem:v55+s17+$0x0] =	vst.idx.msk $0xffff, v13  }
0x7d: {  	v40 =	vor.u32 v5, v11;
	v13 =	vld.idx.msk [tilespmem:v56+s3+$0x0], $0xffff;
	[tilespmem:v57+s17+$0x0] =	vst.idx.msk $0xffff, v17  }
0x7e: {  	v41 =	vor.u32 v12, v11;
	v42 =	vor.u32 v5, v14;
	v20 =	vld.idx.msk [tilespmem:v58+s3+$0x0], $0xffff;
	[tilespmem:v59+s17+$0x0] =	vst.idx.msk $0xffff, v19  }
0x7f: {  	[tilespmem:v27+s17+$0x0] =	vst.idx.msk $0xffff, v26;
	v43 =	vor.u32 v5, v24;
	v16 =	vld.idx.msk [tilespmem:v60+s3+$0x0], $0xffff  }
0x80: {  	v21 =	vld.idx.msk [tilespmem:v21+s3+$0x0], $0xffff;
	v44 =	vor.u32 v6, v9;
	v45 =	vor.u32 v12, v24;
	[tilespmem:v62+s17+$0x0] =	vst.idx.msk $0xffff, v61  }
0x81: {  	v46 =	vor.u32 v18, v9;
	v47 =	vor.u32 v6, v8;
	[tilespmem:v39+s17+$0x0] =	vst.idx.msk $0xffff, v38;
	v28 =	vld.idx.msk [tilespmem:v63+s3+$0x0], $0xffff  }
0x82: {  	v48 =	vor.u32 v18, v8;
	v22 =	vld.idx.msk [tilespmem:v22+s3+$0x0], $0xffff;
	v49 =	vor.u32 v6, v10;
	[tilespmem:v40+s17+$0x0] =	vst.idx.msk $0xffff, v13  }
0x83: {  	v50 =	vor.u32 v18, v10;
	v51 =	vor.u32 v6, v11;
	v15 =	vld.idx.msk [tilespmem:v41+s3+$0x0], $0xffff;
	[tilespmem:v42+s17+$0x0] =	vst.idx.msk $0xffff, v20  }
0x84: {  	v53 =	vor.u32 v6, v14;
	v52 =	vor.u32 v18, v11;
	v23 =	vld.idx.msk [tilespmem:v23+s3+$0x0], $0xffff;
	[tilespmem:v43+s17+$0x0] =	vst.idx.msk $0xffff, v16  }
0x85: {  	[tilespmem:v44+s17+$0x0] =	vst.idx.msk $0xffff, v21;
	v54 =	vor.u32 v18, v14;
	v55 =	vor.u32 v6, v24;
	v12 =	vld.idx.msk [tilespmem:v45+s3+$0x0], $0xffff  }
0x86: {  	v21 =	vld.idx.msk [tilespmem:v46+s3+$0x0], $0xffff;
	v56 =	vor.u32 v7, v9;
	[tilespmem:v47+s17+$0x0] =	vst.idx.msk $0xffff, v28;
	v57 =	vor.u32 v18, v24  }
0x87: {  	v8 =	vor.u32 v7, v8;
	[tilespmem:v49+s17+$0x0] =	vst.idx.msk $0xffff, v22;
	v58 =	vld.idx.msk [tilespmem:v48+s3+$0x0], $0xffff  }
0x88: {  	v13 =	vld.idx.msk [tilespmem:v50+s3+$0x0], $0xffff;
	v59 =	vor.u32 v7, v10;
	[tilespmem:v51+s17+$0x0] =	vst.idx.msk $0xffff, v15  }
0x89: {  	v60 =	vor.u32 v7, v11;
	v15 =	vld.idx.msk [tilespmem:v52+s3+$0x0], $0xffff;
	[tilespmem:v53+s17+$0x0] =	vst.idx.msk $0xffff, v23  }
0x8a: {  	v61 =	vor.u32 v7, v14;
	v16 =	vld.idx.msk [tilespmem:v54+s3+$0x0], $0xffff;
	[tilespmem:v55+s17+$0x0] =	vst.idx.msk $0xffff, v12  }
0x8b: {  	s18 =	sshll.u32 s15, $0xB;
	s15 =	sadd.s32 $0x1, s15;
	v63 =	vor.u32 v7, v24;
	[tilespmem:v56+s17+$0x0] =	vst.idx.msk $0xffff, v21;
	v62 =	vld.idx.msk [tilespmem:v57+s3+$0x0], $0xffff  }
0x8c: {  	p0 =	sne.s32 s15, $0x19;
	[tilespmem:v8+s17+$0x0] =	vst.idx.msk $0xffff, v58  }
.Ltmp1:
0x8d: {  	[tilespmem:v59+s17+$0x0] =	vst.idx.msk $0xffff, v13;
	(pc) =	sbr.rel @p0 .LBB2_2-.Ltmp1, $4  }
0x8e: {  	[tilespmem:v60+s17+$0x0] =	vst.idx.msk $0xffff, v15  }
0x8f: {  	[tilespmem:v61+s17+$0x0] =	vst.idx.msk $0xffff, v16  }
0x90: {  	s16 =	sadd.s32 $0x1, s16;
	s18 =	sadd.s32 s18, s5;
	[tilespmem:v63+s17+$0x0] =	vst.idx.msk $0xffff, v62  }
0x91: {  	[hbm4b:s18+s3] =	stream.linear.scatter [tilespmem:s17], [sflag:s16], $0x4000, $0x38;
	[tilespmem:$0x12780] =	vst v63  }
0x92: {  	_ =	swait.ge [sflag:s10], $0x4000  }
0x93: {  	[sflag:s10] =	ssyncset.done $0x0  }
0x94: {  	[sflag:s10] =	ssyncadd.s32 $0xFFFFC000  }
0x95: {  	_ =	swait.ge [sflag:s11], $0x4000  }
0x96: {  	[sflag:s11] =	ssyncset.done $0x0  }
0x97: {  	s14 =	sadd.s32 $0x1, s14;
	[sflag:s11] =	ssyncadd.s32 $0xFFFFC000  }
0x98: {  	p0 =	sne.s32 s14, s6;
	_ =	swait.ge [sflag:s12], $0x4000  }
.Ltmp2:
0x99: {  	[sflag:s12] =	ssyncset.done $0x0;
	(pc) =	sbr.rel @p0 .LBB2_1-.Ltmp2, $4  }
0x9a: {  	[sflag:s12] =	ssyncadd.s32 $0xFFFFC000  }
0x9b: {  	_ =	swait.ge [sflag:s13], $0x4000  }
0x9c: {  	[sflag:s13] =	ssyncset.done $0x0  }
0x9d: {  	[sflag:s13] =	ssyncadd.s32 $0xFFFFC000  }
0x9e: {  	_ =	sfence.sel $0x180000  }
0x9f: {  	[bflag:$0x0] =	sbarrier.arrive $0xFFFF  }
0xa0: {  	p0 =	sne.s32 s0, $0x0;
	_ =	strace $0x90000047  }
0xa1: {  	s0 =	sadd.s32 @!p0 $0x100000, s2;
	[bflag:$0x2] =	sbarrier.arrive $0xFFFF  }
0xa2: {  	[sflag:s0] =	ssyncadd.tile.s32 @!p0 $0x1;
	_ =	shalt  }
.Lfunc_end2:
_tile_overlayer_lowered:
.L_overlay_start_2:
0xa3: {  	(tag) =	ssettag $0x2  }
0xa4: {  	s0 =	rddreg [dreg:$0x0];
	s2 =	stileid.u32  }
0xa5: {  	s1 =	rddreg [dreg:$0x1];
	p0 =	sne.s32 s2, $0x0  }
0xa6: {  	s3 =	rddreg [dreg:$0x2];
	[bflag:$0x3] =	sbarrier.arrive $0xFFFF;
	s2 =	simm.s32 @!p0 $0x1C07  }
0xa7: {  	[timem:s3], [sflag:s2] =	dma.local @!p0 [hbm:s0], s1  }
0xa8: {  	s0 =	simm.s32 @!p0 $0x7  }
0xa9: {  	_ =	swait.ge @!p0 [sflag:s0], s1  }
0xaa: {  	s1 =	ssub.s32 @!p0 $0x0, s1;
	[sflag:s0] =	ssyncset.done @!p0 $0x0  }
0xab: {  	[sflag:s0] =	ssyncadd.s32 @!p0 s1  }
0xac: {  	[bflag:$0x3] =	sbarrier.arrive $0xFFFF  }
0xad: {  	_ =	shalt  }

</sc_bundles>
